<compile_context>
chip_gen: v7x
topology: tpu7x:2x2x1
jax: 0.10.2.dev20260603
libtpu: 0.0.44.dev20260713+nightly
codegen_flags: <defaults>
</compile_context>

<pallas_src>
import functools

import jax
import jax.numpy as jnp
from jax import lax
from jax.experimental import pallas as pl
from jax.experimental.pallas import tpu as pltpu
from jax.experimental.pallas import tpu_sc as plsc

_B, _H, _S, _D = 8, 8, 4096, 128
_Q = 16
_PAIRS = _B * _H

_info = plsc.get_sparse_core_info()
_NC, _NS = _info.num_cores, _info.num_subcores
_NW = _NC * _NS
_PPW = _PAIRS // _NW

_mesh = plsc.VectorSubcoreMesh(core_axis_name="c", subcore_axis_name="s")


@functools.partial(
    pl.kernel,
    out_type=(
        jax.ShapeDtypeStruct((_PAIRS * _S, _D), jnp.float32),
        jax.ShapeDtypeStruct((_PAIRS * _S, _D), jnp.float32),
    ),
    mesh=_mesh,
    scratch_types=[
        pltpu.VMEM((_Q,), jnp.int32),
        pltpu.VMEM((_Q, _D), jnp.float32),
        pltpu.VMEM((_Q, _D), jnp.float32),
        pltpu.SemaphoreType.DMA,
    ],
)
def _sc_update(ks, vs, kc, vc, cp, k_out, v_out, idx_v, krows, vrows, sem):
    wid = lax.axis_index("s") * _NC + lax.axis_index("c")
    pltpu.sync_copy(cp, idx_v)
    idx = idx_v[...]
    for j in range(_PPW):
        pair = wid * _PPW + j
        base = pair * _S
        ck = pltpu.async_copy(kc.at[pl.ds(base, _S)], k_out.at[pl.ds(base, _S)], sem)
        cv = pltpu.async_copy(vc.at[pl.ds(base, _S)], v_out.at[pl.ds(base, _S)], sem)
        pltpu.sync_copy(ks.at[pl.ds(pair * _Q, _Q)], krows)
        pltpu.sync_copy(vs.at[pl.ds(pair * _Q, _Q)], vrows)
        ck.wait()
        cv.wait()
        flat = idx + base
        pltpu.sync_copy(krows, k_out.at[flat])
        pltpu.sync_copy(vrows, v_out.at[flat])


def kernel(key_states, value_states, key_cache, value_cache, cache_position,
           layer_idx):
    del layer_idx
    ks = key_states.reshape(_PAIRS * _Q, _D)
    vs = value_states.reshape(_PAIRS * _Q, _D)
    kc = key_cache.reshape(_PAIRS * _S, _D)
    vc = value_cache.reshape(_PAIRS * _S, _D)
    k_out, v_out = _sc_update(ks, vs, kc, vc, cache_position)
    return (k_out.reshape(_B, _H, _S, _D), v_out.reshape(_B, _H, _S, _D))

# --- scband reference (transcript-rebuilt; emitter-appended) ---
"""Pipeline reference for scband-hybrid-cache-82094004896404 (READ-ONLY COPY).

The authoritative reference and input builder live on the scoring server;
editing this copy changes nothing except your own understanding.
"""

import jax, jax.numpy as jnp
import numpy as np

B, H_KV, Q_LEN, HEAD_DIM = 8, 8, 16, 128
MAX_CACHE_LEN = 4096
SLIDING_WINDOW = 1024
LAYER_IDX = 1  # odd layer -> global (static) attention in HybridCache; even -> sliding


def setup_inputs(seed: int = 0) -> dict:
    key = jax.random.key(seed)
    k1, k2 = jax.random.split(key)
    return {
        "key_states": jax.random.normal(k1, (B, H_KV, Q_LEN, HEAD_DIM), dtype=jnp.float32),
        "value_states": jax.random.normal(k2, (B, H_KV, Q_LEN, HEAD_DIM), dtype=jnp.float32),
        "key_cache": jnp.zeros((B, H_KV, MAX_CACHE_LEN, HEAD_DIM), dtype=jnp.float32),
        "value_cache": jnp.zeros((B, H_KV, MAX_CACHE_LEN, HEAD_DIM), dtype=jnp.float32),
        "cache_position": jnp.arange(Q_LEN, dtype=jnp.int32),
        "layer_idx": LAYER_IDX,
    }


def _static_update(cache_position, key_states, value_states, k_cache, v_cache):
    # StaticCache path: scatter-overwrite new K/V at cache_position along the seq axis
    k_out = k_cache.at[:, :, cache_position].set(key_states)
    v_out = v_cache.at[:, :, cache_position].set(value_states)
    return k_out, v_out


def _sliding_update(cache_position, key_states, value_states, k_cache, v_cache, max_cache_len):
    # SlidingWindowCache path (faithful to transformers HybridCache._sliding_update)
    if key_states.shape[2] > max_cache_len:
        k_out = key_states[:, :, -max_cache_len:, :]
        v_out = value_states[:, :, -max_cache_len:, :]
        return k_out, v_out
    cp = jnp.clip(cache_position, 0, max_cache_len - 1)
    slicing = jnp.cumsum(jnp.ones((max_cache_len,), dtype=jnp.int32))
    to_shift = cp >= max_cache_len - 1
    indices = (slicing + to_shift[-1].astype(jnp.int32) - 1) % max_cache_len
    k_out = k_cache[:, :, indices]
    v_out = v_cache[:, :, indices]
    k_out = k_out.at[:, :, cp].set(key_states)
    v_out = v_out.at[:, :, cp].set(value_states)
    return k_out, v_out


def reference(key_states, value_states, key_cache, value_cache, cache_position, layer_idx):
    # HybridCache.update: is_sliding[i] = not bool(i % 2) -> even layers sliding, odd layers static
    is_sliding = (LAYER_IDX % 2 == 0)
    cp = cache_position + (jnp.asarray(layer_idx) % 2).astype(cache_position.dtype) * 0
    if is_sliding:
        return _sliding_update(cp, key_states, value_states,
                               key_cache[:, :, :SLIDING_WINDOW, :], value_cache[:, :, :SLIDING_WINDOW, :],
                               min(SLIDING_WINDOW, MAX_CACHE_LEN))
    return _static_update(cp, key_states, value_states, key_cache, value_cache)

if __name__ == "__main__":
    import jax
    _d = setup_inputs()
    print(jax.jit(kernel)(*tuple(_d.values())))

</pallas_src>

<mosaic_0001>
#map = affine_map<(d0, d1) -> (0, 0)>
#map1 = affine_map<(d0, d1) -> (0)>
module attributes {stable_mosaic.version = 14 : i64} {
  func.func @_sc_update(%arg0: i32, %arg1: i32, %arg2: memref<1024x128xf32, #tpu.memory_space<hbm>>, %arg3: memref<1024x128xf32, #tpu.memory_space<hbm>>, %arg4: memref<262144x128xf32, #tpu.memory_space<hbm>>, %arg5: memref<262144x128xf32, #tpu.memory_space<hbm>>, %arg6: memref<16xi32, #tpu.memory_space<hbm>>, %arg7: memref<262144x128xf32, #tpu.memory_space<hbm>>, %arg8: memref<262144x128xf32, #tpu.memory_space<hbm>>, %arg9: memref<16xi32, #tpu.memory_space<vmem>>, %arg10: memref<16x128xf32, #tpu.memory_space<vmem>>, %arg11: memref<16x128xf32, #tpu.memory_space<vmem>>, %arg12: memref<!tpu.dma_semaphore, #tpu.memory_space<semaphore_mem>>) attributes {dimension_semantics = [#tpu.dimension_semantics<core_parallel>, #tpu.dimension_semantics<subcore_parallel>], iteration_bounds = array<i64: 2, 16>, scalar_prefetch = 0 : i64, scratch_operands = 4 : i64, tpu.core_type = #tpu.core_type<sc_vector_subcore>, window_params = [{transform_indices = #map}, {transform_indices = #map}, {transform_indices = #map}, {transform_indices = #map}, {transform_indices = #map1}, {transform_indices = #map}, {transform_indices = #map}]} {
    %mul3A = arith.constant 2 : i32
    %mul3A_0 = arith.muli %arg1, %mul3A : i32
    %add3A = arith.addi %mul3A_0, %arg0 : i32
    "tpu.region"() ({
      %run_scoped3A = tpu.sem_alloc : memref<!tpu.dma_semaphore, #tpu.memory_space<semaphore_mem>>
      tpu.enqueue_dma source(%arg6 : memref<16xi32, #tpu.memory_space<hbm>>) target(%arg9 : memref<16xi32, #tpu.memory_space<vmem>>) target_semaphore(%run_scoped3A : memref<!tpu.dma_semaphore, #tpu.memory_space<semaphore_mem>>)
      tpu.wait_dma2 semaphore(%run_scoped3A : memref<!tpu.dma_semaphore, #tpu.memory_space<semaphore_mem>>) src(%arg6 : memref<16xi32, #tpu.memory_space<hbm>>) dst(%arg9 : memref<16xi32, #tpu.memory_space<vmem>>)
      tpu.yield
    }) : () -> ()
    %get3A = arith.constant 0 : index
    %get3A_1 = tpu.vector_load %arg9[%get3A] {strides = array<i32>} : memref<16xi32, #tpu.memory_space<vmem>>, vector<16xi32>,
    %get3A_2 = vector.shape_cast %get3A_1 : vector<16xi32> to vector<16xi32>
    %mul3A_3 = arith.constant 2 : i32
    %mul3A_4 = arith.muli %add3A, %mul3A_3 : i32
    %add3A_5 = arith.constant 0 : i32
    %add3A_6 = arith.addi %mul3A_4, %add3A_5 : i32
    %mul3A_7 = arith.constant 4096 : i32
    %mul3A_8 = arith.muli %add3A_6, %mul3A_7 : i32
    %dma_start3A = arith.constant 0 : i32
    %dma_start3A_9 = tpu.memref_slice %arg7[%mul3A_8, %dma_start3A] : memref<262144x128xf32, #tpu.memory_space<hbm>> -> memref<4096x128xf32, #tpu.memory_space<hbm>>
    %dma_start3A_10 = arith.constant 0 : i32
    %dma_start3A_11 = tpu.memref_slice %arg4[%mul3A_8, %dma_start3A_10] : memref<262144x128xf32, #tpu.memory_space<hbm>> -> memref<4096x128xf32, #tpu.memory_space<hbm>>
    tpu.enqueue_dma source(%dma_start3A_11 : memref<4096x128xf32, #tpu.memory_space<hbm>>) target(%dma_start3A_9 : memref<4096x128xf32, #tpu.memory_space<hbm>>) target_semaphore(%arg12 : memref<!tpu.dma_semaphore, #tpu.memory_space<semaphore_mem>>)
    %dma_start3A_12 = arith.constant 0 : i32
    %dma_start3A_13 = tpu.memref_slice %arg8[%mul3A_8, %dma_start3A_12] : memref<262144x128xf32, #tpu.memory_space<hbm>> -> memref<4096x128xf32, #tpu.memory_space<hbm>>
    %dma_start3A_14 = arith.constant 0 : i32
    %dma_start3A_15 = tpu.memref_slice %arg5[%mul3A_8, %dma_start3A_14] : memref<262144x128xf32, #tpu.memory_space<hbm>> -> memref<4096x128xf32, #tpu.memory_space<hbm>>
    tpu.enqueue_dma source(%dma_start3A_15 : memref<4096x128xf32, #tpu.memory_space<hbm>>) target(%dma_start3A_13 : memref<4096x128xf32, #tpu.memory_space<hbm>>) target_semaphore(%arg12 : memref<!tpu.dma_semaphore, #tpu.memory_space<semaphore_mem>>)
    %mul3A_16 = arith.constant 16 : i32
    %mul3A_17 = arith.muli %add3A_6, %mul3A_16 : i32
    "tpu.region"() ({
      %run_scoped3A = tpu.sem_alloc : memref<!tpu.dma_semaphore, #tpu.memory_space<semaphore_mem>>
      %dma_start3A_57 = arith.constant 0 : i32
      %dma_start3A_58 = tpu.memref_slice %arg2[%mul3A_17, %dma_start3A_57] : memref<1024x128xf32, #tpu.memory_space<hbm>> -> memref<16x128xf32, #tpu.memory_space<hbm>>
      %dma_start3A_59 = arith.constant 0 : i32
      %dma_start3A_60 = tpu.memref_slice %arg2[%mul3A_17, %dma_start3A_59] : memref<1024x128xf32, #tpu.memory_space<hbm>> -> memref<16x128xf32, #tpu.memory_space<hbm>>
      tpu.enqueue_dma source(%dma_start3A_60 : memref<16x128xf32, #tpu.memory_space<hbm>>) target(%arg10 : memref<16x128xf32, #tpu.memory_space<vmem>>) target_semaphore(%run_scoped3A : memref<!tpu.dma_semaphore, #tpu.memory_space<semaphore_mem>>)
      %dma_wait3A_61 = arith.constant 0 : i32
      %dma_wait3A_62 = tpu.memref_slice %arg2[%mul3A_17, %dma_wait3A_61] : memref<1024x128xf32, #tpu.memory_space<hbm>> -> memref<16x128xf32, #tpu.memory_space<hbm>>
      %dma_wait3A_63 = arith.constant 0 : i32
      %dma_wait3A_64 = tpu.memref_slice %arg2[%mul3A_17, %dma_wait3A_63] : memref<1024x128xf32, #tpu.memory_space<hbm>> -> memref<16x128xf32, #tpu.memory_space<hbm>>
      tpu.wait_dma2 semaphore(%run_scoped3A : memref<!tpu.dma_semaphore, #tpu.memory_space<semaphore_mem>>) src(%dma_wait3A_64 : memref<16x128xf32, #tpu.memory_space<hbm>>) dst(%arg10 : memref<16x128xf32, #tpu.memory_space<vmem>>)
      tpu.yield
    }) : () -> ()
    %mul3A_18 = arith.constant 16 : i32
    %mul3A_19 = arith.muli %add3A_6, %mul3A_18 : i32
    "tpu.region"() ({
      %run_scoped3A = tpu.sem_alloc : memref<!tpu.dma_semaphore, #tpu.memory_space<semaphore_mem>>
      %dma_start3A_57 = arith.constant 0 : i32
      %dma_start3A_58 = tpu.memref_slice %arg3[%mul3A_19, %dma_start3A_57] : memref<1024x128xf32, #tpu.memory_space<hbm>> -> memref<16x128xf32, #tpu.memory_space<hbm>>
      %dma_start3A_59 = arith.constant 0 : i32
      %dma_start3A_60 = tpu.memref_slice %arg3[%mul3A_19, %dma_start3A_59] : memref<1024x128xf32, #tpu.memory_space<hbm>> -> memref<16x128xf32, #tpu.memory_space<hbm>>
      tpu.enqueue_dma source(%dma_start3A_60 : memref<16x128xf32, #tpu.memory_space<hbm>>) target(%arg11 : memref<16x128xf32, #tpu.memory_space<vmem>>) target_semaphore(%run_scoped3A : memref<!tpu.dma_semaphore, #tpu.memory_space<semaphore_mem>>)
      %dma_wait3A_61 = arith.constant 0 : i32
      %dma_wait3A_62 = tpu.memref_slice %arg3[%mul3A_19, %dma_wait3A_61] : memref<1024x128xf32, #tpu.memory_space<hbm>> -> memref<16x128xf32, #tpu.memory_space<hbm>>
      %dma_wait3A_63 = arith.constant 0 : i32
      %dma_wait3A_64 = tpu.memref_slice %arg3[%mul3A_19, %dma_wait3A_63] : memref<1024x128xf32, #tpu.memory_space<hbm>> -> memref<16x128xf32, #tpu.memory_space<hbm>>
      tpu.wait_dma2 semaphore(%run_scoped3A : memref<!tpu.dma_semaphore, #tpu.memory_space<semaphore_mem>>) src(%dma_wait3A_64 : memref<16x128xf32, #tpu.memory_space<hbm>>) dst(%arg11 : memref<16x128xf32, #tpu.memory_space<vmem>>)
      tpu.yield
    }) : () -> ()
    %dma_wait3A = arith.constant 0 : i32
    %dma_wait3A_20 = tpu.memref_slice %arg7[%mul3A_8, %dma_wait3A] : memref<262144x128xf32, #tpu.memory_space<hbm>> -> memref<4096x128xf32, #tpu.memory_space<hbm>>
    %dma_wait3A_21 = arith.constant 0 : i32
    %dma_wait3A_22 = tpu.memref_slice %arg4[%mul3A_8, %dma_wait3A_21] : memref<262144x128xf32, #tpu.memory_space<hbm>> -> memref<4096x128xf32, #tpu.memory_space<hbm>>
    tpu.wait_dma2 semaphore(%arg12 : memref<!tpu.dma_semaphore, #tpu.memory_space<semaphore_mem>>) src(%dma_wait3A_22 : memref<4096x128xf32, #tpu.memory_space<hbm>>) dst(%dma_wait3A_20 : memref<4096x128xf32, #tpu.memory_space<hbm>>)
    %dma_wait3A_23 = arith.constant 0 : i32
    %dma_wait3A_24 = tpu.memref_slice %arg8[%mul3A_8, %dma_wait3A_23] : memref<262144x128xf32, #tpu.memory_space<hbm>> -> memref<4096x128xf32, #tpu.memory_space<hbm>>
    %dma_wait3A_25 = arith.constant 0 : i32
    %dma_wait3A_26 = tpu.memref_slice %arg5[%mul3A_8, %dma_wait3A_25] : memref<262144x128xf32, #tpu.memory_space<hbm>> -> memref<4096x128xf32, #tpu.memory_space<hbm>>
    tpu.wait_dma2 semaphore(%arg12 : memref<!tpu.dma_semaphore, #tpu.memory_space<semaphore_mem>>) src(%dma_wait3A_26 : memref<4096x128xf32, #tpu.memory_space<hbm>>) dst(%dma_wait3A_24 : memref<4096x128xf32, #tpu.memory_space<hbm>>)
    %add3A_27 = vector.broadcast %mul3A_8 : i32 to vector<16xi32>
    %add3A_28 = arith.addi %get3A_2, %add3A_27 : vector<16xi32>
    "tpu.region"() ({
      %run_scoped3A = tpu.sem_alloc : memref<!tpu.dma_semaphore, #tpu.memory_space<semaphore_mem>>
      %dma_start3A_57 = arith.constant 0 : i32
      %dma_start3A_58 = arith.constant 0 : i32
      %dma_start3A_59 = tpu.memref_slice %arg7[%dma_start3A_57, %dma_start3A_58] : memref<262144x128xf32, #tpu.memory_space<hbm>> -> memref<262144x128xf32, #tpu.memory_space<hbm>>
      tpu.enqueue_indirect_dma source(%arg10 : memref<16x128xf32, #tpu.memory_space<vmem>>) target(%dma_start3A_59 : memref<262144x128xf32, #tpu.memory_space<hbm>>) offsets(%add3A_28 : vector<16xi32>) semaphore(%run_scoped3A : memref<!tpu.dma_semaphore, #tpu.memory_space<semaphore_mem>>)
      %dma_wait3A_60 = arith.constant 0 : i32
      %dma_wait3A_61 = arith.constant 0 : i32
      %dma_wait3A_62 = tpu.memref_slice %arg7[%dma_wait3A_60, %dma_wait3A_61] : memref<262144x128xf32, #tpu.memory_space<hbm>> -> memref<262144x128xf32, #tpu.memory_space<hbm>>
      tpu.wait_indirect_dma semaphore(%run_scoped3A : memref<!tpu.dma_semaphore, #tpu.memory_space<semaphore_mem>>) src(%arg10 : memref<16x128xf32, #tpu.memory_space<vmem>>) dst(%dma_wait3A_62 : memref<262144x128xf32, #tpu.memory_space<hbm>>)
      tpu.yield
    }) : () -> ()
    "tpu.region"() ({
      %run_scoped3A = tpu.sem_alloc : memref<!tpu.dma_semaphore, #tpu.memory_space<semaphore_mem>>
      %dma_start3A_57 = arith.constant 0 : i32
      %dma_start3A_58 = arith.constant 0 : i32
      %dma_start3A_59 = tpu.memref_slice %arg8[%dma_start3A_57, %dma_start3A_58] : memref<262144x128xf32, #tpu.memory_space<hbm>> -> memref<262144x128xf32, #tpu.memory_space<hbm>>
      tpu.enqueue_indirect_dma source(%arg11 : memref<16x128xf32, #tpu.memory_space<vmem>>) target(%dma_start3A_59 : memref<262144x128xf32, #tpu.memory_space<hbm>>) offsets(%add3A_28 : vector<16xi32>) semaphore(%run_scoped3A : memref<!tpu.dma_semaphore, #tpu.memory_space<semaphore_mem>>)
      %dma_wait3A_60 = arith.constant 0 : i32
      %dma_wait3A_61 = arith.constant 0 : i32
      %dma_wait3A_62 = tpu.memref_slice %arg8[%dma_wait3A_60, %dma_wait3A_61] : memref<262144x128xf32, #tpu.memory_space<hbm>> -> memref<262144x128xf32, #tpu.memory_space<hbm>>
      tpu.wait_indirect_dma semaphore(%run_scoped3A : memref<!tpu.dma_semaphore, #tpu.memory_space<semaphore_mem>>) src(%arg11 : memref<16x128xf32, #tpu.memory_space<vmem>>) dst(%dma_wait3A_62 : memref<262144x128xf32, #tpu.memory_space<hbm>>)
      tpu.yield
    }) : () -> ()
    %mul3A_29 = arith.constant 2 : i32
    %mul3A_30 = arith.muli %add3A, %mul3A_29 : i32
    %add3A_31 = arith.constant 1 : i32
    %add3A_32 = arith.addi %mul3A_30, %add3A_31 : i32
    %mul3A_33 = arith.constant 4096 : i32
    %mul3A_34 = arith.muli %add3A_32, %mul3A_33 : i32
    %dma_start3A_35 = arith.constant 0 : i32
    %dma_start3A_36 = tpu.memref_slice %arg7[%mul3A_34, %dma_start3A_35] : memref<262144x128xf32, #tpu.memory_space<hbm>> -> memref<4096x128xf32, #tpu.memory_space<hbm>>
    %dma_start3A_37 = arith.constant 0 : i32
    %dma_start3A_38 = tpu.memref_slice %arg4[%mul3A_34, %dma_start3A_37] : memref<262144x128xf32, #tpu.memory_space<hbm>> -> memref<4096x128xf32, #tpu.memory_space<hbm>>
    tpu.enqueue_dma source(%dma_start3A_38 : memref<4096x128xf32, #tpu.memory_space<hbm>>) target(%dma_start3A_36 : memref<4096x128xf32, #tpu.memory_space<hbm>>) target_semaphore(%arg12 : memref<!tpu.dma_semaphore, #tpu.memory_space<semaphore_mem>>)
    %dma_start3A_39 = arith.constant 0 : i32
    %dma_start3A_40 = tpu.memref_slice %arg8[%mul3A_34, %dma_start3A_39] : memref<262144x128xf32, #tpu.memory_space<hbm>> -> memref<4096x128xf32, #tpu.memory_space<hbm>>
    %dma_start3A_41 = arith.constant 0 : i32
    %dma_start3A_42 = tpu.memref_slice %arg5[%mul3A_34, %dma_start3A_41] : memref<262144x128xf32, #tpu.memory_space<hbm>> -> memref<4096x128xf32, #tpu.memory_space<hbm>>
    tpu.enqueue_dma source(%dma_start3A_42 : memref<4096x128xf32, #tpu.memory_space<hbm>>) target(%dma_start3A_40 : memref<4096x128xf32, #tpu.memory_space<hbm>>) target_semaphore(%arg12 : memref<!tpu.dma_semaphore, #tpu.memory_space<semaphore_mem>>)
    %mul3A_43 = arith.constant 16 : i32
    %mul3A_44 = arith.muli %add3A_32, %mul3A_43 : i32
    "tpu.region"() ({
      %run_scoped3A = tpu.sem_alloc : memref<!tpu.dma_semaphore, #tpu.memory_space<semaphore_mem>>
      %dma_start3A_57 = arith.constant 0 : i32
      %dma_start3A_58 = tpu.memref_slice %arg2[%mul3A_44, %dma_start3A_57] : memref<1024x128xf32, #tpu.memory_space<hbm>> -> memref<16x128xf32, #tpu.memory_space<hbm>>
      %dma_start3A_59 = arith.constant 0 : i32
      %dma_start3A_60 = tpu.memref_slice %arg2[%mul3A_44, %dma_start3A_59] : memref<1024x128xf32, #tpu.memory_space<hbm>> -> memref<16x128xf32, #tpu.memory_space<hbm>>
      tpu.enqueue_dma source(%dma_start3A_60 : memref<16x128xf32, #tpu.memory_space<hbm>>) target(%arg10 : memref<16x128xf32, #tpu.memory_space<vmem>>) target_semaphore(%run_scoped3A : memref<!tpu.dma_semaphore, #tpu.memory_space<semaphore_mem>>)
      %dma_wait3A_61 = arith.constant 0 : i32
      %dma_wait3A_62 = tpu.memref_slice %arg2[%mul3A_44, %dma_wait3A_61] : memref<1024x128xf32, #tpu.memory_space<hbm>> -> memref<16x128xf32, #tpu.memory_space<hbm>>
      %dma_wait3A_63 = arith.constant 0 : i32
      %dma_wait3A_64 = tpu.memref_slice %arg2[%mul3A_44, %dma_wait3A_63] : memref<1024x128xf32, #tpu.memory_space<hbm>> -> memref<16x128xf32, #tpu.memory_space<hbm>>
      tpu.wait_dma2 semaphore(%run_scoped3A : memref<!tpu.dma_semaphore, #tpu.memory_space<semaphore_mem>>) src(%dma_wait3A_64 : memref<16x128xf32, #tpu.memory_space<hbm>>) dst(%arg10 : memref<16x128xf32, #tpu.memory_space<vmem>>)
      tpu.yield
    }) : () -> ()
    %mul3A_45 = arith.constant 16 : i32
    %mul3A_46 = arith.muli %add3A_32, %mul3A_45 : i32
    "tpu.region"() ({
      %run_scoped3A = tpu.sem_alloc : memref<!tpu.dma_semaphore, #tpu.memory_space<semaphore_mem>>
      %dma_start3A_57 = arith.constant 0 : i32
      %dma_start3A_58 = tpu.memref_slice %arg3[%mul3A_46, %dma_start3A_57] : memref<1024x128xf32, #tpu.memory_space<hbm>> -> memref<16x128xf32, #tpu.memory_space<hbm>>
      %dma_start3A_59 = arith.constant 0 : i32
      %dma_start3A_60 = tpu.memref_slice %arg3[%mul3A_46, %dma_start3A_59] : memref<1024x128xf32, #tpu.memory_space<hbm>> -> memref<16x128xf32, #tpu.memory_space<hbm>>
      tpu.enqueue_dma source(%dma_start3A_60 : memref<16x128xf32, #tpu.memory_space<hbm>>) target(%arg11 : memref<16x128xf32, #tpu.memory_space<vmem>>) target_semaphore(%run_scoped3A : memref<!tpu.dma_semaphore, #tpu.memory_space<semaphore_mem>>)
      %dma_wait3A_61 = arith.constant 0 : i32
      %dma_wait3A_62 = tpu.memref_slice %arg3[%mul3A_46, %dma_wait3A_61] : memref<1024x128xf32, #tpu.memory_space<hbm>> -> memref<16x128xf32, #tpu.memory_space<hbm>>
      %dma_wait3A_63 = arith.constant 0 : i32
      %dma_wait3A_64 = tpu.memref_slice %arg3[%mul3A_46, %dma_wait3A_63] : memref<1024x128xf32, #tpu.memory_space<hbm>> -> memref<16x128xf32, #tpu.memory_space<hbm>>
      tpu.wait_dma2 semaphore(%run_scoped3A : memref<!tpu.dma_semaphore, #tpu.memory_space<semaphore_mem>>) src(%dma_wait3A_64 : memref<16x128xf32, #tpu.memory_space<hbm>>) dst(%arg11 : memref<16x128xf32, #tpu.memory_space<vmem>>)
      tpu.yield
    }) : () -> ()
    %dma_wait3A_47 = arith.constant 0 : i32
    %dma_wait3A_48 = tpu.memref_slice %arg7[%mul3A_34, %dma_wait3A_47] : memref<262144x128xf32, #tpu.memory_space<hbm>> -> memref<4096x128xf32, #tpu.memory_space<hbm>>
    %dma_wait3A_49 = arith.constant 0 : i32
    %dma_wait3A_50 = tpu.memref_slice %arg4[%mul3A_34, %dma_wait3A_49] : memref<262144x128xf32, #tpu.memory_space<hbm>> -> memref<4096x128xf32, #tpu.memory_space<hbm>>
    tpu.wait_dma2 semaphore(%arg12 : memref<!tpu.dma_semaphore, #tpu.memory_space<semaphore_mem>>) src(%dma_wait3A_50 : memref<4096x128xf32, #tpu.memory_space<hbm>>) dst(%dma_wait3A_48 : memref<4096x128xf32, #tpu.memory_space<hbm>>)
    %dma_wait3A_51 = arith.constant 0 : i32
    %dma_wait3A_52 = tpu.memref_slice %arg8[%mul3A_34, %dma_wait3A_51] : memref<262144x128xf32, #tpu.memory_space<hbm>> -> memref<4096x128xf32, #tpu.memory_space<hbm>>
    %dma_wait3A_53 = arith.constant 0 : i32
    %dma_wait3A_54 = tpu.memref_slice %arg5[%mul3A_34, %dma_wait3A_53] : memref<262144x128xf32, #tpu.memory_space<hbm>> -> memref<4096x128xf32, #tpu.memory_space<hbm>>
    tpu.wait_dma2 semaphore(%arg12 : memref<!tpu.dma_semaphore, #tpu.memory_space<semaphore_mem>>) src(%dma_wait3A_54 : memref<4096x128xf32, #tpu.memory_space<hbm>>) dst(%dma_wait3A_52 : memref<4096x128xf32, #tpu.memory_space<hbm>>)
    %add3A_55 = vector.broadcast %mul3A_34 : i32 to vector<16xi32>
    %add3A_56 = arith.addi %get3A_2, %add3A_55 : vector<16xi32>
    "tpu.region"() ({
      %run_scoped3A = tpu.sem_alloc : memref<!tpu.dma_semaphore, #tpu.memory_space<semaphore_mem>>
      %dma_start3A_57 = arith.constant 0 : i32
      %dma_start3A_58 = arith.constant 0 : i32
      %dma_start3A_59 = tpu.memref_slice %arg7[%dma_start3A_57, %dma_start3A_58] : memref<262144x128xf32, #tpu.memory_space<hbm>> -> memref<262144x128xf32, #tpu.memory_space<hbm>>
      tpu.enqueue_indirect_dma source(%arg10 : memref<16x128xf32, #tpu.memory_space<vmem>>) target(%dma_start3A_59 : memref<262144x128xf32, #tpu.memory_space<hbm>>) offsets(%add3A_56 : vector<16xi32>) semaphore(%run_scoped3A : memref<!tpu.dma_semaphore, #tpu.memory_space<semaphore_mem>>)
      %dma_wait3A_60 = arith.constant 0 : i32
      %dma_wait3A_61 = arith.constant 0 : i32
      %dma_wait3A_62 = tpu.memref_slice %arg7[%dma_wait3A_60, %dma_wait3A_61] : memref<262144x128xf32, #tpu.memory_space<hbm>> -> memref<262144x128xf32, #tpu.memory_space<hbm>>
      tpu.wait_indirect_dma semaphore(%run_scoped3A : memref<!tpu.dma_semaphore, #tpu.memory_space<semaphore_mem>>) src(%arg10 : memref<16x128xf32, #tpu.memory_space<vmem>>) dst(%dma_wait3A_62 : memref<262144x128xf32, #tpu.memory_space<hbm>>)
      tpu.yield
    }) : () -> ()
    "tpu.region"() ({
      %run_scoped3A = tpu.sem_alloc : memref<!tpu.dma_semaphore, #tpu.memory_space<semaphore_mem>>
      %dma_start3A_57 = arith.constant 0 : i32
      %dma_start3A_58 = arith.constant 0 : i32
      %dma_start3A_59 = tpu.memref_slice %arg8[%dma_start3A_57, %dma_start3A_58] : memref<262144x128xf32, #tpu.memory_space<hbm>> -> memref<262144x128xf32, #tpu.memory_space<hbm>>
      tpu.enqueue_indirect_dma source(%arg11 : memref<16x128xf32, #tpu.memory_space<vmem>>) target(%dma_start3A_59 : memref<262144x128xf32, #tpu.memory_space<hbm>>) offsets(%add3A_56 : vector<16xi32>) semaphore(%run_scoped3A : memref<!tpu.dma_semaphore, #tpu.memory_space<semaphore_mem>>)
      %dma_wait3A_60 = arith.constant 0 : i32
      %dma_wait3A_61 = arith.constant 0 : i32
      %dma_wait3A_62 = tpu.memref_slice %arg8[%dma_wait3A_60, %dma_wait3A_61] : memref<262144x128xf32, #tpu.memory_space<hbm>> -> memref<262144x128xf32, #tpu.memory_space<hbm>>
      tpu.wait_indirect_dma semaphore(%run_scoped3A : memref<!tpu.dma_semaphore, #tpu.memory_space<semaphore_mem>>) src(%arg11 : memref<16x128xf32, #tpu.memory_space<vmem>>) dst(%dma_wait3A_62 : memref<262144x128xf32, #tpu.memory_space<hbm>>)
      tpu.yield
    }) : () -> ()
    return
  }
}

</mosaic_0001>

<sc_bundles>
// kernel: kernel.3.cloned.1.call-start
scs
__scs_entry_jumppad:
0x0: {  	(pc) =	sbr.rel $0x88, $3  }
0x1: {  	(tag) =	ssettag $0x0;
	lr =	simm.s32 $0x1  }
0x2: {  	[smem:$0x3F9C] =	sst lr;
	_ =	strace $0xD0000000  }
0x3: {  	_ = 	snop  }
0x4: {  	_ = 	snop  }
0x5: {  	_ = 	snop  }
0x6: {  	_ = 	snop  }
0x7: {  	_ = 	snop  }
__scs_overlays_trampoline_lowered:
0x8: {  	[smem:$0x3FAB] =	sst s0  }
0x9: {  	[smem:$0x3FAC] =	sst s1  }
0xa: {  	[smem:$0x3FAD] =	sst s2  }
0xb: {  	[smem:$0x3FAE] =	sst s3  }
0xc: {  	[smem:$0x3FAF] =	sst s4  }
0xd: {  	[smem:$0x3FB0] =	sst s5  }
0xe: {  	[smem:$0x3FB1] =	sst s6  }
0xf: {  	[smem:$0x3FB2] =	sst s7  }
0x10: {  	[smem:$0x3FB3] =	sst s8  }
0x11: {  	[smem:$0x3FB4] =	sst s9;
	s0 =	simm.s32 @!p0 $0x0  }
0x12: {  	s1 =	sld [smem:$0x3F9A];
	s0 =	simm.s32 @p0 $0x1  }
0x13: {  	[smem:$0x3FB5] =	sst s0;
	s0 =	simm.s32 @!p1 $0x0  }
0x14: {  	s2 =	sld [smem:$0x3F99];
	s0 =	simm.s32 @p1 $0x1  }
0x15: {  	[smem:$0x3FB6] =	sst s0;
	s0 =	simm.s32 @!p2 $0x0  }
0x16: {  	s3 =	sld [smem:$0x3FDB];
	s0 =	simm.s32 @p2 $0x1  }
0x17: {  	s4 =	simm.s32 $0x1BF5;
	[smem:$0x3FB8] =	sst s0  }
0x18: {  	s0 =	sld [smem:$0x3F9B];
	_ =	swait.ge [sflag:s4], $0x0  }
0x19: {  	s7 =	sld [smem:$0x3F9C]  }
0x1a: {  	s8 =	sadd.s32 $0xFFFFE003, lr  }
0x1b: {  	s9 =	sadd.s32 $0xFFFFFEF7, lr;
	s5 =	simm.s32 $0xFFFFFFFF;
	p2 =	slt.u32 s8, $0xFFFFF086  }
0x1c: {  	p1 =	slt.u32 s9, $0xF7A;
	s5 =	simm.s32 @!p2 $0x0  }
0x1d: {  	s5 =	simm.s32 @p1 $0x1;
	p0 =	seq.s32 s7, s2  }
0x1e: {  	s7 =	smul.u32 @!p0 $0xF7A, s2;
	p2 =	seq.s32 @!p0 s5, $0x0  }
0x1f: {  	s9 =	smul.u32 $0xF7A, s1;
	s8 =	simm.s32 @!p0 $0x1BF5;
	p2 =	por !p2, p0  }
0x20: {  	[sflag:s8] =	ssyncset.s32 @!p0 $0xFFFFF086;
	s6 =	sadd.s32 @!p0 s3, s7;
	s7 =	simm.s32 @!p0 $0x108  }
0x21: {  	s3 =	sadd.s32 s3, s9;
	s6 =	sadd.s32 @!p0 $0x88, s6;
	s7 =	simm.s32 @p2 $0x1082  }
0x22: {  	[simem:s7], [sflag:s8] =	dma.local @!p0 [hbm:s6], $0xF7A  }
0x23: {  	s9 =	sor.u32 $0xD0000000, s2;
	s6 =	simm.s32 $0x108;
	_ =	swait.ge @!p0 [sflag:s8], $0x0  }
0x24: {  	s3 =	sadd.s32 $0x88, s3;
	s6 =	simm.s32 @!p1 $0x1082;
	[sflag:s4] =	ssyncset.s32 $0xFFFFF086  }
0x25: {  	[simem:s6], [sflag:s4] =	dma.local [hbm:s3], $0xF7A  }
0x26: {  	[smem:$0x3F9C] =	sst s1;
	(tag) =	ssettag s2;
	_ =	strace s9  }
0x27: {  	s1 =	sld [smem:$0x3FAC]  }
0x28: {  	s2 =	sld [smem:$0x3FAD]  }
0x29: {  	s4 =	sld [smem:$0x3FAF]  }
0x2a: {  	p0 =	seq.s32 s5, $0x0;
	s5 =	sld [smem:$0x3FB0]  }
0x2b: {  	s6 =	sld [smem:$0x3FB1]  }
0x2c: {  	s7 =	sld [smem:$0x3FB2]  }
0x2d: {  	s3 =	simm.s32 $0x108;
	s8 =	sld [smem:$0x3FB3]  }
0x2e: {  	s3 =	simm.s32 @!p0 $0x1082;
	s9 =	sld [smem:$0x3FB4]  }
0x2f: {  	lr =	sadd.s32 s0, s3;
	s0 =	sld [smem:$0x3FAB]  }
0x30: {  	s3 =	sld [smem:$0x3FAE]  }
0x31: {  	[smem:$0x3FB7] =	sst s10  }
0x32: {  	s10 =	sld [smem:$0x3FB5];
	_ =	sdelay $0x3  }
0x33: {  	p0 =	seq.s32 s10, $0x1;
	s10 =	sld [smem:$0x3FB7];
	_ =	sdelay $0x3  }
0x34: {  	[smem:$0x3FB7] =	sst s10  }
0x35: {  	s10 =	sld [smem:$0x3FB6];
	_ =	sdelay $0x3  }
0x36: {  	p1 =	seq.s32 s10, $0x1;
	s10 =	sld [smem:$0x3FB7];
	_ =	sdelay $0x3  }
0x37: {  	[smem:$0x3FB7] =	sst s10  }
0x38: {  	s10 =	sld [smem:$0x3FB8]  }
0x39: {  	_ = 	snop;
	(pc) =	sbr.ind lr, $3  }
0x3a: {  	_ = 	snop  }
0x3b: {  	_ = 	snop  }
0x3c: {  	p2 =	seq.s32 s10, $0x1;
	s10 =	sld [smem:$0x3FB7]  }
0x3d: {  	_ =	shalt  }
0x3e: {  	_ =	shalt  }
0x3f: {  	_ =	shalt  }
0x40: {  	_ =	shalt  }
0x41: {  	_ =	shalt  }
0x42: {  	_ =	shalt  }
0x43: {  	_ =	shalt  }
0x44: {  	_ =	shalt  }
0x45: {  	_ =	shalt  }
0x46: {  	_ =	shalt  }
0x47: {  	_ =	shalt  }
0x48: {  	_ =	shalt  }
0x49: {  	_ =	shalt  }
0x4a: {  	_ =	shalt  }
0x4b: {  	_ =	shalt  }
0x4c: {  	_ =	shalt  }
0x4d: {  	_ =	shalt  }
0x4e: {  	_ =	shalt  }
0x4f: {  	_ =	shalt  }
0x50: {  	_ =	shalt  }
0x51: {  	_ =	shalt  }
0x52: {  	_ =	shalt  }
0x53: {  	_ =	shalt  }
0x54: {  	_ =	shalt  }
0x55: {  	_ =	shalt  }
0x56: {  	_ =	shalt  }
0x57: {  	_ =	shalt  }
0x58: {  	_ =	shalt  }
0x59: {  	_ =	shalt  }
0x5a: {  	_ =	shalt  }
0x5b: {  	_ =	shalt  }
0x5c: {  	_ =	shalt  }
0x5d: {  	_ =	shalt  }
0x5e: {  	_ =	shalt  }
0x5f: {  	_ =	shalt  }
0x60: {  	_ =	shalt  }
0x61: {  	_ =	shalt  }
0x62: {  	_ =	shalt  }
0x63: {  	_ =	shalt  }
0x64: {  	_ =	shalt  }
0x65: {  	_ =	shalt  }
0x66: {  	_ =	shalt  }
0x67: {  	_ =	shalt  }
0x68: {  	_ =	shalt  }
0x69: {  	_ =	shalt  }
0x6a: {  	_ =	shalt  }
0x6b: {  	_ =	shalt  }
0x6c: {  	_ =	shalt  }
0x6d: {  	_ =	shalt  }
0x6e: {  	_ =	shalt  }
0x6f: {  	_ =	shalt  }
0x70: {  	_ =	shalt  }
0x71: {  	_ =	shalt  }
0x72: {  	_ =	shalt  }
0x73: {  	_ =	shalt  }
0x74: {  	_ =	shalt  }
0x75: {  	_ =	shalt  }
0x76: {  	_ =	shalt  }
0x77: {  	_ =	shalt  }
0x78: {  	_ =	shalt  }
0x79: {  	_ =	shalt  }
0x7a: {  	_ =	shalt  }
0x7b: {  	_ =	shalt  }
0x7c: {  	_ =	shalt  }
0x7d: {  	_ =	shalt  }
0x7e: {  	_ =	shalt  }
0x7f: {  	_ =	shalt  }
0x80: {  	_ =	shalt  }
0x81: {  	_ =	shalt  }
0x82: {  	_ =	shalt  }
0x83: {  	_ =	shalt  }
0x84: {  	_ =	shalt  }
0x85: {  	_ =	shalt  }
0x86: {  	_ =	shalt  }
0x87: {  	_ =	shalt  }
.Lfunc_end0:
.L_simem_size_0:
called_computation_lowered:
.L_overlay_start_0:
0x88: {  	s2 =	sld [smem:$0x3FD9]  }
0x89: {  	s3 =	sld [smem:$0x3FFE];
	_ =	sdelay $0x1  }
0x8a: {  	s1 =	srdreg.scid  }
0x8b: {  	s0 =	sand.u32 $0x1, s1  }
0x8c: {  	s15 =	sshll.u32 s0, $0xA;
	s2 =	sadd.s32 s3, s2  }
0x8d: {  	s2 =	sadd.s32 s2, s15  }
0x8e: {  	[smem:$0x3FC3] =	sst s2  }
0x8f: {  	_ = 	snop  }
0x90: {  	s2 =	sld [smem:$0x3FC9]  }
0x91: {  	s16 =	sld [smem:$0x3FC8]  }
0x92: {  	s4 =	sld [smem:$0x3FD0]  }
0x93: {  	s5 =	sld [smem:$0x3FC7]  }
0x94: {  	s6 =	sld [smem:$0x3FC6]  }
0x95: {  	s8 =	simm.s32 $0xA;
	s9 =	simm.s32 $0x10;
	s7 =	sld [smem:$0x3FC5]  }
0x96: {  	[smem:s9], [sflag:s8] =	dma.local [hbm:s4], $0x1  }
0x97: {  	_ =	swait.eq [sflag:s8], $0x1  }
0x98: {  	[sflag:s8] =	ssyncset.done $0x0  }
0x99: {  	s17 =	sld [smem:$0x10];
	[sflag:s8] =	ssyncadd.s32 $0xFFFFFFFF  }
0x9a: {  	s18 =	sld [smem:$0x11];
	(tm) =	ssettm $0x1  }
0x9b: {  	s19 =	sld [smem:$0x3FFB];
	_ =	sdelay $0x3  }
0x9c: {  	_ =	strace s19  }
0x9d: {  	s9 =	sld [smem:$0x3FFC];
	_ =	sdelay $0x3  }
0x9e: {  	_ =	strace s9  }
0x9f: {  	s9 =	sld [smem:$0x3FFD];
	_ =	sdelay $0x3  }
0xa0: {  	_ =	strace s9  }
0xa1: {  	_ =	strace $0x8FFFFFFF  }
0xa2: {  	s20 =	sld [smem:$0x3FDB];
	_ =	sdelay $0x1  }
0xa3: {  	s10 =	simm.s32 $_scs_section_size  }
0xa4: {  	s11 =	simm.s32 $_size__tile_overlayer_lowered;
	s12 =	simm.s32 $_tile_overlayer_lowered  }
0xa5: {  	s23 =	simm.s32 $0x1BFF;
	s22 =	sshll.u32 s12, $0x1;
	s9 =	sadd.s32 s10, s20  }
0xa6: {  	s13 =	simm.s32 $0x0;
	s21 =	sshll.u32 s11, $0x1;
	s11 =	sadd.s32 s22, s9  }
0xa7: {  	[timem:s13], [sflag:s23] =	dma.local [hbm:s11], s21  }
0xa8: {  	_ =	swait.ge [sflag:s23], s21  }
0xa9: {  	s10 =	ssub.s32 $0x0, s21;
	[sflag:s23] =	ssyncset.done $0x0  }
0xaa: {  	[sflag:s23] =	ssyncadd.s32 s10;
	_ =	sdelay $0x1  }
0xab: {  	s24 =	simm.s32 $0x1B8B  }
0xac: {  	_ =	swait.ge [sflag:s24], $0x1  }
0xad: {  	[sflag:s24] =	ssyncset.done $0x0  }
0xae: {  	s25 =	simm.s32 $0x1B8E;
	[sflag:s24] =	ssyncadd.s32 $0xFFFFFFFF  }
0xaf: {  	s26 =	simm.s32 $execute0_lowered;
	[smem:$0x3FD2] =	sst s25  }
0xb0: {  	s10 =	sshll.u32 s26, $0x1;
	_ =	strace $0x80000046;
	[dreg:$0x1] =	wrdreg $0xFFFFFFFF  }
0xb1: {  	s28 =	simm.s32 $_size_execute0_lowered;
	s9 =	sadd.s32 s9, s10;
	[dreg:$0x0] =	wrdreg $0x0  }
0xb2: {  	s10 =	sshll.u32 s28, $0x1;
	[dreg:$0x2] =	wrdreg s9  }
0xb3: {  	[dreg:$0x3] =	wrdreg s10  }
0xb4: {  	[dreg:$0x4] =	wrdreg $0xC0  }
0xb5: {  	_ =	task [dreg:s13], $0x5FFFF  }
0xb6: {  	[dreg:$0x1] =	wrdreg $0xFFFFFFFF  }
0xb7: {  	[dreg:$0x0] =	wrdreg $0x60  }
0xb8: {  	[dreg:$0x2] =	wrdreg s2  }
0xb9: {  	[dreg:$0x3] =	wrdreg s16  }
0xba: {  	[dreg:$0x4] =	wrdreg s5  }
0xbb: {  	[dreg:$0x5] =	wrdreg s6  }
0xbc: {  	[dreg:$0x6] =	wrdreg s7  }
0xbd: {  	[dreg:$0x7] =	wrdreg s17  }
0xbe: {  	[dreg:$0x8] =	wrdreg s18  }
0xbf: {  	[dreg:$0x9] =	wrdreg $0x9  }
0xc0: {  	_ =	task.clear_ibuf [dreg:s13], $0xAFFFF;
	_ =	strace $0x90000046  }
0xc1: {  	s29 =	simm.s32 $0x9;
	_ =	strace $0x80000048  }
0xc2: {  	_ =	swait.ge [sflag:s29], $0x1  }
0xc3: {  	[sflag:s29] =	ssyncadd.s32 $0xFFFFFFFF  }
0xc4: {  	_ =	strace $0x90000048  }
0xc5: {  	_ =	sfence  }
0xc6: {  	s30 =	sld [smem:$0x0];
	_ =	sdelay $0x2  }
0xc7: {  	s31 =	sshll.u32 s1, $0xD;
	s1 =	sshrl.u32 s1, $0x2  }
0xc8: {  	s3 =	sand.u32 $0x4000, s31;
	s1 =	sadd.s32 s1, s30  }
0xc9: {  	s0 =	sor.u32 s3, s0;
	s1 =	sshll.u32 s1, $0x11  }
0xca: {  	s0 =	sor.u32 s1, s0  }
0xcb: {  	s0 =	sadd.s32 $0x8F2B, s0  }
0xcc: {  	[sflag:s0] =	ssyncadd.remote.s32 $0x1  }
0xcd: {  	_ =	sfence.sel $0xFFFF  }
0xce: {  	[dreg:$0x0] =	wrdreg $0xFFFFFFFF;
	(pc) =	sbr.abs _section_cstart, $3  }
0xcf: {  	[dreg:$0x1] =	wrdreg $0xFFFFFFFF  }
0xd0: {  	_ =	task.clear_ibuf [dreg:s13], $0x2FFFF;
	_ =	strace $0x9FFFFFFF  }
0xd1: {  	(tm) =	ssettm $0x7FFFFFFF  }
tec
execute0_lowered:
.L_overlay_start_1:
0x0: {  	(tag) =	ssettag $0x1  }
0x1: {  	s21 =	rddreg [dreg:$0x0]  }
0x2: {  	s22 =	rddreg [dreg:$0x1]  }
0x3: {  	s17 =	rddreg [dreg:$0x2]  }
0x4: {  	s19 =	rddreg [dreg:$0x3]  }
0x5: {  	s2 =	rddreg [dreg:$0x4]  }
0x6: {  	s3 =	rddreg [dreg:$0x5]  }
0x7: {  	s4 =	rddreg [dreg:$0x6]  }
0x8: {  	s0 =	rddreg [dreg:$0x7];
	s6 =	srdreg.scid  }
0x9: {  	s1 =	stileid.u32;
	s5 =	simm.s32 $0x0;
	s12 =	simm.s32 $0x80  }
0xa: {  	s23 =	sand.u32 $0x1, s6;
	s29 =	sshll.u32 s1, $0x1;
	[smem:$0x7FF] =	sst s5  }
0xb: {  	s6 =	simm.s32 $0x2;
	s13 =	sshll.u32 s1, $0x6;
	s18 =	sor.u32 s23, s29  }
0xc: {  	_ =	strace $0x80000047;
	s13 =	sor.u32 $0x1C01, s13;
	s10 =	sshll.u32 s18, $0x11  }
0xd: {  	[tilespmem:s5], [sflag:$0x2] =	stream.linear.gather [hbm4b:s2+s5], $0x80, $0x38;
	[tilespmem:$0x1080] =	vst v63  }
0xe: {  	s14 =	sshll.u32 s18, $0x9;
	s7 =	sadd.s32 s17, s10;
	_ =	swait.ge [sflag:s6], $0x80  }
0xf: {  	s8 =	sadd.s32 s3, s10;
	s9 =	sadd.s32 s19, s10;
	[sflag:s6] =	ssyncset.done $0x0  }
0x10: {  	s10 =	sadd.s32 s4, s10;
	s11 =	sadd.s32 s21, s14;
	[sflag:s6] =	ssyncadd.s32 $0xFFFFFF80  }
0x11: {  	v2 =	vld [tilespmem:$0x0];
	[hbm:s8], [sflag:s13] =	dma.local [hbm:s7], $0x10000  }
0x12: {  	[hbm:s10], [sflag:s13] =	dma.local [hbm:s9], $0x10000  }
0x13: {  	[tilespmem:s12], [sflag:$0x2] =	stream.linear.gather [hbm4b:s11+s5], $0x800, $0x38;
	[tilespmem:$0x1080] =	vst v63  }
0x14: {  	_ =	swait.ge [sflag:s6], $0x800  }
0x15: {  	[sflag:s6] =	ssyncset.done $0x0  }
0x16: {  	s15 =	simm.s32 $0x880;
	s14 =	sadd.s32 s22, s14;
	[sflag:s6] =	ssyncadd.s32 $0xFFFFF800  }
0x17: {  	[tilespmem:s15], [sflag:$0x2] =	stream.linear.gather [hbm4b:s14+s5], $0x800, $0x38;
	[tilespmem:$0x1080] =	vst v63  }
0x18: {  	_ =	swait.ge [sflag:s6], $0x800  }
0x19: {  	[sflag:s6] =	ssyncset.done $0x0  }
0x1a: {  	s16 =	simm.s32 $0x1;
	s20 =	sshll.u32 s18, $0xD;
	[sflag:s6] =	ssyncadd.s32 $0xFFFFF800  }
0x1b: {  	v0 =	vmov s20;
	_ =	swait.ge [sflag:s16], $0x10000  }
0x1c: {  	v1 =	vadd.s32 v0, v2;
	[sflag:s16] =	ssyncset.done $0x0  }
0x1d: {  	[sflag:s16] =	ssyncadd.s32 $0xFFFF0000  }
0x1e: {  	_ =	swait.ge [sflag:s16], $0x10000  }
0x1f: {  	[sflag:s16] =	ssyncset.done $0x0  }
0x20: {  	vm0 =	vmmov $0xffff;
	[sflag:s16] =	ssyncadd.s32 $0xFFFF0000  }
0x21: {  	[hbm4b:s3+s5] =	stream.indirect_vreg.scatter [tilespmem:s12], [sflag:$0x2], $0x80, v1, vm0, $0xb8;
	[tilespmem:$0x1080] =	vst v63  }
0x22: {  	_ =	swait.ge [sflag:s6], $0x800  }
0x23: {  	s24 =	sshllo.u32 s18, $0x1;
	[sflag:s6] =	ssyncset.done $0x0  }
0x24: {  	s30 =	sshll.u32 s24, $0x10;
	[sflag:s6] =	ssyncadd.s32 $0xFFFFF800  }
0x25: {  	[hbm4b:s4+s5] =	stream.indirect_vreg.scatter [tilespmem:s15], [sflag:$0x2], $0x80, v1, vm0, $0xb8;
	[tilespmem:$0x1080] =	vst v63  }
0x26: {  	s25 =	sshll.u32 s24, $0x8;
	s17 =	sadd.s32 s17, s30;
	_ =	swait.ge [sflag:s6], $0x800  }
0x27: {  	s18 =	sadd.s32 s3, s30;
	s19 =	sadd.s32 s19, s30;
	[sflag:s6] =	ssyncset.done $0x0  }
0x28: {  	s20 =	sadd.s32 s4, s30;
	s21 =	sadd.s32 s21, s25;
	[sflag:s6] =	ssyncadd.s32 $0xFFFFF800  }
0x29: {  	[hbm:s18], [sflag:s13] =	dma.local [hbm:s17], $0x10000  }
0x2a: {  	[hbm:s20], [sflag:s13] =	dma.local [hbm:s19], $0x10000  }
0x2b: {  	[tilespmem:s12], [sflag:$0x2] =	stream.linear.gather [hbm4b:s21+s5], $0x800, $0x38;
	[tilespmem:$0x1080] =	vst v63  }
0x2c: {  	_ =	swait.ge [sflag:s6], $0x800  }
0x2d: {  	[sflag:s6] =	ssyncset.done $0x0  }
0x2e: {  	s22 =	sadd.s32 s22, s25;
	[sflag:s6] =	ssyncadd.s32 $0xFFFFF800  }
0x2f: {  	[tilespmem:s15], [sflag:$0x2] =	stream.linear.gather [hbm4b:s22+s5], $0x800, $0x38;
	[tilespmem:$0x1080] =	vst v63  }
0x30: {  	_ =	swait.ge [sflag:s6], $0x800  }
0x31: {  	[sflag:s6] =	ssyncset.done $0x0  }
0x32: {  	s24 =	sshll.u32 s24, $0xC;
	[sflag:s6] =	ssyncadd.s32 $0xFFFFF800  }
0x33: {  	v1 =	vmov s24;
	_ =	swait.ge [sflag:s16], $0x10000  }
0x34: {  	v2 =	vadd.s32 v1, v2;
	[sflag:s16] =	ssyncset.done $0x0  }
0x35: {  	s23 =	ssub.s32 $0x2, s23;
	[sflag:s16] =	ssyncadd.s32 $0xFFFF0000  }
0x36: {  	s31 =	sshrl.u32 s23, $0x1;
	_ =	swait.ge [sflag:s16], $0x10000  }
0x37: {  	s23 =	ssub.s32 s23, s31;
	[sflag:s16] =	ssyncset.done $0x0  }
0x38: {  	s23 =	smax.u32 s23, $0x1;
	[sflag:s16] =	ssyncadd.s32 $0xFFFF0000  }
0x39: {  	[hbm4b:s3+s5] =	stream.indirect_vreg.scatter [tilespmem:s12], [sflag:$0x2], $0x80, v2, vm0, $0xb8;
	[tilespmem:$0x1080] =	vst v63  }
0x3a: {  	p0 =	sne.s32 s23, $0x1;
	_ =	swait.ge [sflag:s6], $0x800  }
.Ltmp0:
0x3b: {  	[sflag:s6] =	ssyncset.done $0x0;
	(pc) =	sbr.rel @!p0 .LBB2_2-.Ltmp0, $4  }
0x3c: {  	[sflag:s6] =	ssyncadd.s32 $0xFFFFF800  }
0x3d: {  	[hbm4b:s4+s5] =	stream.indirect_vreg.scatter [tilespmem:s15], [sflag:$0x2], $0x80, v2, vm0, $0xb8;
	[tilespmem:$0x1080] =	vst v63  }
0x3e: {  	_ =	swait.ge [sflag:s6], $0x800  }
0x3f: {  	s23 =	sadd.s32 $0xFFFFFFFF, s23;
	[sflag:s6] =	ssyncset.done $0x0  }
.LBB2_1:
0x40: {  	p0 =	sne.s32 s23, $0x1;
	s23 =	sadd.s32 $0xFFFFFFFF, s23;
	[sflag:s6] =	ssyncadd.s32 $0xFFFFF800  }
0x41: {  	[tilespmem:s5], [sflag:$0x2] =	stream.linear.gather [hbm4b:s2+s5], $0x80, $0x38;
	[tilespmem:$0x1080] =	vst v63  }
0x42: {  	_ =	swait.ge [sflag:s6], $0x80  }
0x43: {  	[sflag:s6] =	ssyncset.done $0x0  }
0x44: {  	[sflag:s6] =	ssyncadd.s32 $0xFFFFFF80  }
0x45: {  	v2 =	vld [tilespmem:$0x0]  }
0x46: {  	[hbm:s8], [sflag:s13] =	dma.local [hbm:s7], $0x10000  }
0x47: {  	[hbm:s10], [sflag:s13] =	dma.local [hbm:s9], $0x10000  }
0x48: {  	[tilespmem:s12], [sflag:$0x2] =	stream.linear.gather [hbm4b:s11+s5], $0x800, $0x38;
	[tilespmem:$0x1080] =	vst v63  }
0x49: {  	_ =	swait.ge [sflag:s6], $0x800  }
0x4a: {  	[sflag:s6] =	ssyncset.done $0x0  }
0x4b: {  	[sflag:s6] =	ssyncadd.s32 $0xFFFFF800  }
0x4c: {  	[tilespmem:s15], [sflag:$0x2] =	stream.linear.gather [hbm4b:s14+s5], $0x800, $0x38;
	[tilespmem:$0x1080] =	vst v63  }
0x4d: {  	_ =	swait.ge [sflag:s6], $0x800  }
0x4e: {  	[sflag:s6] =	ssyncset.done $0x0  }
0x4f: {  	[sflag:s6] =	ssyncadd.s32 $0xFFFFF800  }
0x50: {  	_ =	swait.ge [sflag:s16], $0x10000  }
0x51: {  	v3 =	vadd.s32 v0, v2;
	[sflag:s16] =	ssyncset.done $0x0  }
0x52: {  	[sflag:s16] =	ssyncadd.s32 $0xFFFF0000  }
0x53: {  	_ =	swait.ge [sflag:s16], $0x10000  }
0x54: {  	[sflag:s16] =	ssyncset.done $0x0  }
0x55: {  	[sflag:s16] =	ssyncadd.s32 $0xFFFF0000  }
0x56: {  	[hbm4b:s3+s5] =	stream.indirect_vreg.scatter [tilespmem:s12], [sflag:$0x2], $0x80, v3, vm0, $0xb8;
	[tilespmem:$0x1080] =	vst v63  }
0x57: {  	_ =	swait.ge [sflag:s6], $0x800  }
0x58: {  	[sflag:s6] =	ssyncset.done $0x0  }
0x59: {  	[sflag:s6] =	ssyncadd.s32 $0xFFFFF800  }
0x5a: {  	[hbm4b:s4+s5] =	stream.indirect_vreg.scatter [tilespmem:s15], [sflag:$0x2], $0x80, v3, vm0, $0xb8;
	[tilespmem:$0x1080] =	vst v63  }
0x5b: {  	_ =	swait.ge [sflag:s6], $0x800  }
0x5c: {  	[sflag:s6] =	ssyncset.done $0x0  }
0x5d: {  	[sflag:s6] =	ssyncadd.s32 $0xFFFFF800  }
0x5e: {  	[hbm:s18], [sflag:s13] =	dma.local [hbm:s17], $0x10000  }
0x5f: {  	[hbm:s20], [sflag:s13] =	dma.local [hbm:s19], $0x10000  }
0x60: {  	[tilespmem:s12], [sflag:$0x2] =	stream.linear.gather [hbm4b:s21+s5], $0x800, $0x38;
	[tilespmem:$0x1080] =	vst v63  }
0x61: {  	_ =	swait.ge [sflag:s6], $0x800  }
0x62: {  	[sflag:s6] =	ssyncset.done $0x0  }
0x63: {  	[sflag:s6] =	ssyncadd.s32 $0xFFFFF800  }
0x64: {  	[tilespmem:s15], [sflag:$0x2] =	stream.linear.gather [hbm4b:s22+s5], $0x800, $0x38;
	[tilespmem:$0x1080] =	vst v63  }
0x65: {  	_ =	swait.ge [sflag:s6], $0x800  }
0x66: {  	[sflag:s6] =	ssyncset.done $0x0  }
0x67: {  	[sflag:s6] =	ssyncadd.s32 $0xFFFFF800  }
0x68: {  	_ =	swait.ge [sflag:s16], $0x10000  }
0x69: {  	v2 =	vadd.s32 v1, v2;
	[sflag:s16] =	ssyncset.done $0x0  }
0x6a: {  	[sflag:s16] =	ssyncadd.s32 $0xFFFF0000  }
0x6b: {  	_ =	swait.ge [sflag:s16], $0x10000  }
0x6c: {  	[sflag:s16] =	ssyncset.done $0x0  }
0x6d: {  	[sflag:s16] =	ssyncadd.s32 $0xFFFF0000  }
0x6e: {  	[hbm4b:s3+s5] =	stream.indirect_vreg.scatter [tilespmem:s12], [sflag:$0x2], $0x80, v2, vm0, $0xb8;
	[tilespmem:$0x1080] =	vst v63  }
0x6f: {  	_ =	swait.ge [sflag:s6], $0x800  }
.Ltmp1:
0x70: {  	[sflag:s6] =	ssyncset.done $0x0;
	(pc) =	sbr.rel @p0 .LBB2_1-.Ltmp1, $4  }
0x71: {  	[sflag:s6] =	ssyncadd.s32 $0xFFFFF800  }
0x72: {  	[hbm4b:s4+s5] =	stream.indirect_vreg.scatter [tilespmem:s15], [sflag:$0x2], $0x80, v2, vm0, $0xb8;
	[tilespmem:$0x1080] =	vst v63  }
0x73: {  	_ =	swait.ge [sflag:s6], $0x800  }
0x74: {  	[sflag:s6] =	ssyncset.done $0x0  }
.LBB2_2:
0x75: {  	[sflag:s6] =	ssyncadd.s32 $0xFFFFF800  }
0x76: {  	_ =	sfence.sel $0x180000  }
0x77: {  	[bflag:$0x0] =	sbarrier.arrive $0xFFFF  }
0x78: {  	p0 =	sne.s32 s1, $0x0;
	_ =	strace $0x90000047  }
0x79: {  	s0 =	sadd.s32 @!p0 $0x100000, s0;
	[bflag:$0x2] =	sbarrier.arrive $0xFFFF  }
0x7a: {  	[sflag:s0] =	ssyncadd.tile.s32 @!p0 $0x1;
	_ =	shalt  }
.Lfunc_end2:
_tile_overlayer_lowered:
.L_overlay_start_2:
0x7b: {  	(tag) =	ssettag $0x2  }
0x7c: {  	s0 =	rddreg [dreg:$0x0];
	s2 =	stileid.u32  }
0x7d: {  	s1 =	rddreg [dreg:$0x1];
	p0 =	sne.s32 s2, $0x0  }
0x7e: {  	s3 =	rddreg [dreg:$0x2];
	[bflag:$0x3] =	sbarrier.arrive $0xFFFF;
	s2 =	simm.s32 @!p0 $0x1C02  }
0x7f: {  	[timem:s3], [sflag:s2] =	dma.local @!p0 [hbm:s0], s1  }
0x80: {  	s0 =	simm.s32 @!p0 $0x2  }
0x81: {  	_ =	swait.ge @!p0 [sflag:s0], s1  }
0x82: {  	s1 =	ssub.s32 @!p0 $0x0, s1;
	[sflag:s0] =	ssyncset.done @!p0 $0x0  }
0x83: {  	[sflag:s0] =	ssyncadd.s32 @!p0 s1  }
0x84: {  	[bflag:$0x3] =	sbarrier.arrive $0xFFFF  }
0x85: {  	_ =	shalt  }

</sc_bundles>
